<compile_context>
chip_gen: v7x
topology: tpu7x:2x2x1
jax: 0.10.2.dev20260603
libtpu: 0.0.44.dev20260713+nightly
codegen_flags: <defaults>
</compile_context>

<pallas_src>
import functools

import jax
import jax.numpy as jnp
from jax import lax
from jax.experimental import pallas as pl
from jax.experimental.pallas import tpu as pltpu
from jax.experimental.pallas import tpu_sc as plsc

D_MODEL = 128
T_LEN = 2048
N_OUTER = 256
N_WORKERS = 32
POS_PER_W = T_LEN // N_WORKERS
PE_CHUNK = POS_PER_W * D_MODEL
LANES = 16
UNROLL = 8
R_BLK = 8


def _sc_lookup_body(tab_hbm, pos_hbm, f_hbm, pe_hbm, idx_v, rows_v, fix_v, sem):
    wid = lax.axis_index("s") * 2 + lax.axis_index("c")

    pltpu.sync_copy(pos_hbm.at[wid], idx_v)
    pltpu.make_async_copy(tab_hbm.at[idx_v], rows_v, sem).start()
    pltpu.sync_copy(f_hbm.at[wid], fix_v)
    pltpu.make_async_copy(tab_hbm.at[idx_v], rows_v, sem).wait()

    def body(i, carry):
        for u in range(D_MODEL // LANES):
            off = u * LANES
            rows_v[i, pl.ds(off, LANES)] = (
                rows_v[i, pl.ds(off, LANES)] + fix_v[i, pl.ds(off, LANES)]
            )
        return carry
    lax.fori_loop(0, POS_PER_W, body, 0)

    pltpu.sync_copy(rows_v, pe_hbm.at[wid])


def _tc_body(x_ref, pe_ref, o_ref):
    o_ref[...] = x_ref[...] + pe_ref[...][None]


@jax.jit
def _run(x3, tab, pos, f3):
    mesh = plsc.VectorSubcoreMesh(core_axis_name="c", subcore_axis_name="s")
    sc_lookup = functools.partial(
        pl.kernel,
        mesh=mesh,
        out_type=jax.ShapeDtypeStruct((N_WORKERS, POS_PER_W, D_MODEL),
                                      jnp.float32),
        scratch_types=[
            pltpu.VMEM((POS_PER_W,), jnp.int32),
            pltpu.VMEM((POS_PER_W, D_MODEL), jnp.float32),
            pltpu.VMEM((POS_PER_W, D_MODEL), jnp.float32),
            pltpu.SemaphoreType.DMA,
        ],
    )(_sc_lookup_body)
    pe = sc_lookup(tab, pos, f3).reshape(T_LEN, D_MODEL)

    grid = (N_OUTER // R_BLK,)
    return pl.pallas_call(
        _tc_body,
        grid=grid,
        in_specs=[
            pl.BlockSpec((R_BLK, T_LEN, D_MODEL), lambda i: (i, 0, 0)),
            pl.BlockSpec((T_LEN, D_MODEL), lambda i: (0, 0)),
        ],
        out_specs=pl.BlockSpec((R_BLK, T_LEN, D_MODEL), lambda i: (i, 0, 0)),
        out_shape=jax.ShapeDtypeStruct((N_OUTER, T_LEN, D_MODEL), jnp.float32),
    )(x3, pe)


def kernel(x, learned_pe_table, fixed_pe):
    B, N, T, D = x.shape
    x3 = x.reshape(N_OUTER, T_LEN, D_MODEL)
    pos = jnp.arange(T_LEN, dtype=jnp.int32).reshape(N_WORKERS, POS_PER_W)
    f3 = fixed_pe.reshape(N_WORKERS, POS_PER_W, D_MODEL)
    out = _run(x3, learned_pe_table, pos, f3)
    return out.reshape(B, N, T, D)

# --- scband reference (transcript-rebuilt; emitter-appended) ---
"""Pipeline reference for scband-hybrid-positional-encoding-67637144977606 (READ-ONLY COPY).

The authoritative reference and input builder live on the scoring server;
editing this copy changes nothing except your own understanding.
"""

import jax, jax.numpy as jnp
import numpy as np
import math

D_MODEL = 128
MAX_LEN = 2048
BATCH = 4
N_NODES = 64
T_LEN = 2048


def _create_fixed_pe(d_model, max_len):
    pe = np.zeros((max_len, d_model), dtype=np.float32)
    position = np.arange(0, max_len, dtype=np.float32)[:, None]
    div_term = np.exp(np.arange(0, d_model, 2, dtype=np.float32) * -(math.log(10000.0) / d_model))
    pe[:, 0::2] = np.sin(position * div_term)
    pe[:, 1::2] = np.cos(position * div_term)
    return jnp.asarray(pe)[None, None]  # (1, 1, max_len, d_model)


def setup_inputs(seed: int = 0) -> dict:
    key = jax.random.key(seed)
    k_x, k_tab = jax.random.split(key)
    x = jax.random.normal(k_x, (BATCH, N_NODES, T_LEN, D_MODEL), dtype=jnp.float32)
    # learned positional embedding table (nn.Embedding weight)
    learned_pe_table = jax.random.normal(k_tab, (MAX_LEN, D_MODEL), dtype=jnp.float32)
    fixed_pe = _create_fixed_pe(D_MODEL, MAX_LEN)
    return {"x": x, "learned_pe_table": learned_pe_table, "fixed_pe": fixed_pe}


def reference(x, learned_pe_table, fixed_pe):
    # x: (B, N, T, F_in)
    T = x.shape[2]
    # embedding lookup over positions 0..T-1
    learned = jnp.take(learned_pe_table, jnp.arange(T), axis=0)  # (T, d_model)
    learned = learned[None, None]  # (1, 1, T, d_model)
    fixed = fixed_pe[:, :, :T]  # (1, 1, T, d_model)
    out = x + learned + fixed
    # dropout is identity in eval mode
    return out

if __name__ == "__main__":
    import jax
    _d = setup_inputs()
    print(jax.jit(kernel)(*tuple(_d.values())))

</pallas_src>

<mosaic_0001>
#map = affine_map<(d0, d1) -> (0, 0)>
#map1 = affine_map<(d0, d1) -> (0, 0, 0)>
module attributes {stable_mosaic.version = 14 : i64} {
  func.func @_sc_lookup_body(%arg0: i32, %arg1: i32, %arg2: memref<2048x128xf32, #tpu.memory_space<hbm>>, %arg3: memref<32x64xi32, #tpu.memory_space<hbm>>, %arg4: memref<32x64x128xf32, #tpu.memory_space<hbm>>, %arg5: memref<32x64x128xf32, #tpu.memory_space<hbm>>, %arg6: memref<64xi32, #tpu.memory_space<vmem>>, %arg7: memref<64x128xf32, #tpu.memory_space<vmem>>, %arg8: memref<64x128xf32, #tpu.memory_space<vmem>>, %arg9: memref<!tpu.dma_semaphore, #tpu.memory_space<semaphore_mem>>) attributes {dimension_semantics = [#tpu.dimension_semantics<core_parallel>, #tpu.dimension_semantics<subcore_parallel>], iteration_bounds = array<i64: 2, 16>, scalar_prefetch = 0 : i64, scratch_operands = 4 : i64, tpu.core_type = #tpu.core_type<sc_vector_subcore>, window_params = [{transform_indices = #map}, {transform_indices = #map}, {transform_indices = #map1}, {transform_indices = #map1}]} {
    %mul3A = arith.constant 2 : i32
    %mul3A_0 = arith.muli %arg1, %mul3A : i32
    %add3A = arith.addi %mul3A_0, %arg0 : i32
    "tpu.region"() ({
      %run_scoped3A = tpu.sem_alloc : memref<!tpu.dma_semaphore, #tpu.memory_space<semaphore_mem>>
      %dma_start3A_10 = arith.constant 0 : i32
      %dma_start3A_11 = tpu.memref_slice %arg3[%add3A, %dma_start3A_10] : memref<32x64xi32, #tpu.memory_space<hbm>> -> memref<1x64xi32, #tpu.memory_space<hbm>>
      %dma_start3A_12 = tpu.memref_squeeze %dma_start3A_11 : memref<1x64xi32, #tpu.memory_space<hbm>> -> memref<64xi32, #tpu.memory_space<hbm>>
      %dma_start3A_13 = arith.constant 0 : i32
      %dma_start3A_14 = tpu.memref_slice %arg3[%add3A, %dma_start3A_13] : memref<32x64xi32, #tpu.memory_space<hbm>> -> memref<1x64xi32, #tpu.memory_space<hbm>>
      %dma_start3A_15 = tpu.memref_squeeze %dma_start3A_14 : memref<1x64xi32, #tpu.memory_space<hbm>> -> memref<64xi32, #tpu.memory_space<hbm>>
      tpu.enqueue_dma source(%dma_start3A_15 : memref<64xi32, #tpu.memory_space<hbm>>) target(%arg6 : memref<64xi32, #tpu.memory_space<vmem>>) target_semaphore(%run_scoped3A : memref<!tpu.dma_semaphore, #tpu.memory_space<semaphore_mem>>)
      %dma_wait3A_16 = arith.constant 0 : i32
      %dma_wait3A_17 = tpu.memref_slice %arg3[%add3A, %dma_wait3A_16] : memref<32x64xi32, #tpu.memory_space<hbm>> -> memref<1x64xi32, #tpu.memory_space<hbm>>
      %dma_wait3A_18 = tpu.memref_squeeze %dma_wait3A_17 : memref<1x64xi32, #tpu.memory_space<hbm>> -> memref<64xi32, #tpu.memory_space<hbm>>
      %dma_wait3A_19 = arith.constant 0 : i32
      %dma_wait3A_20 = tpu.memref_slice %arg3[%add3A, %dma_wait3A_19] : memref<32x64xi32, #tpu.memory_space<hbm>> -> memref<1x64xi32, #tpu.memory_space<hbm>>
      %dma_wait3A_21 = tpu.memref_squeeze %dma_wait3A_20 : memref<1x64xi32, #tpu.memory_space<hbm>> -> memref<64xi32, #tpu.memory_space<hbm>>
      tpu.wait_dma2 semaphore(%run_scoped3A : memref<!tpu.dma_semaphore, #tpu.memory_space<semaphore_mem>>) src(%dma_wait3A_21 : memref<64xi32, #tpu.memory_space<hbm>>) dst(%arg6 : memref<64xi32, #tpu.memory_space<vmem>>)
      tpu.yield
    }) : () -> ()
    %dma_start3A = arith.constant 0 : i32
    %dma_start3A_1 = arith.constant 0 : i32
    %dma_start3A_2 = tpu.memref_slice %arg2[%dma_start3A, %dma_start3A_1] : memref<2048x128xf32, #tpu.memory_space<hbm>> -> memref<2048x128xf32, #tpu.memory_space<hbm>>
    tpu.enqueue_indirect_dma source(%dma_start3A_2 : memref<2048x128xf32, #tpu.memory_space<hbm>>) target(%arg7 : memref<64x128xf32, #tpu.memory_space<vmem>>) offsets(%arg6 : memref<64xi32, #tpu.memory_space<vmem>>) semaphore(%arg9 : memref<!tpu.dma_semaphore, #tpu.memory_space<semaphore_mem>>)
    "tpu.region"() ({
      %run_scoped3A = tpu.sem_alloc : memref<!tpu.dma_semaphore, #tpu.memory_space<semaphore_mem>>
      %dma_start3A_10 = arith.constant 0 : i32
      %dma_start3A_11 = arith.constant 0 : i32
      %dma_start3A_12 = tpu.memref_slice %arg4[%add3A, %dma_start3A_10, %dma_start3A_11] : memref<32x64x128xf32, #tpu.memory_space<hbm>> -> memref<1x64x128xf32, #tpu.memory_space<hbm>>
      %dma_start3A_13 = tpu.memref_squeeze %dma_start3A_12 : memref<1x64x128xf32, #tpu.memory_space<hbm>> -> memref<64x128xf32, #tpu.memory_space<hbm>>
      %dma_start3A_14 = arith.constant 0 : i32
      %dma_start3A_15 = arith.constant 0 : i32
      %dma_start3A_16 = tpu.memref_slice %arg4[%add3A, %dma_start3A_14, %dma_start3A_15] : memref<32x64x128xf32, #tpu.memory_space<hbm>> -> memref<1x64x128xf32, #tpu.memory_space<hbm>>
      %dma_start3A_17 = tpu.memref_squeeze %dma_start3A_16 : memref<1x64x128xf32, #tpu.memory_space<hbm>> -> memref<64x128xf32, #tpu.memory_space<hbm>>
      tpu.enqueue_dma source(%dma_start3A_17 : memref<64x128xf32, #tpu.memory_space<hbm>>) target(%arg8 : memref<64x128xf32, #tpu.memory_space<vmem>>) target_semaphore(%run_scoped3A : memref<!tpu.dma_semaphore, #tpu.memory_space<semaphore_mem>>)
      %dma_wait3A_18 = arith.constant 0 : i32
      %dma_wait3A_19 = arith.constant 0 : i32
      %dma_wait3A_20 = tpu.memref_slice %arg4[%add3A, %dma_wait3A_18, %dma_wait3A_19] : memref<32x64x128xf32, #tpu.memory_space<hbm>> -> memref<1x64x128xf32, #tpu.memory_space<hbm>>
      %dma_wait3A_21 = tpu.memref_squeeze %dma_wait3A_20 : memref<1x64x128xf32, #tpu.memory_space<hbm>> -> memref<64x128xf32, #tpu.memory_space<hbm>>
      %dma_wait3A_22 = arith.constant 0 : i32
      %dma_wait3A_23 = arith.constant 0 : i32
      %dma_wait3A_24 = tpu.memref_slice %arg4[%add3A, %dma_wait3A_22, %dma_wait3A_23] : memref<32x64x128xf32, #tpu.memory_space<hbm>> -> memref<1x64x128xf32, #tpu.memory_space<hbm>>
      %dma_wait3A_25 = tpu.memref_squeeze %dma_wait3A_24 : memref<1x64x128xf32, #tpu.memory_space<hbm>> -> memref<64x128xf32, #tpu.memory_space<hbm>>
      tpu.wait_dma2 semaphore(%run_scoped3A : memref<!tpu.dma_semaphore, #tpu.memory_space<semaphore_mem>>) src(%dma_wait3A_25 : memref<64x128xf32, #tpu.memory_space<hbm>>) dst(%arg8 : memref<64x128xf32, #tpu.memory_space<vmem>>)
      tpu.yield
    }) : () -> ()
    %dma_wait3A = arith.constant 0 : i32
    %dma_wait3A_3 = arith.constant 0 : i32
    %dma_wait3A_4 = tpu.memref_slice %arg2[%dma_wait3A, %dma_wait3A_3] : memref<2048x128xf32, #tpu.memory_space<hbm>> -> memref<2048x128xf32, #tpu.memory_space<hbm>>
    tpu.wait_indirect_dma semaphore(%arg9 : memref<!tpu.dma_semaphore, #tpu.memory_space<semaphore_mem>>) src(%dma_wait3A_4 : memref<2048x128xf32, #tpu.memory_space<hbm>>) dst(%arg7 : memref<64x128xf32, #tpu.memory_space<vmem>>)
    %scan3A = arith.constant 0 : i32
    %scan3A_5 = arith.constant 0 : i32
    %scan3A_6 = arith.constant 64 : i32
    %scan3A_7 = arith.addi %scan3A_5, %scan3A_6 : i32
    %scan3A_8 = arith.constant 1 : i32
    scf.for %scan3A_10 = %scan3A_5 to %scan3A_7 step %scan3A_8  : i32 {
      %get3A = arith.index_cast %scan3A_10 : i32 to index
      %get3A_11 = arith.constant 0 : index
      %get3A_12 = tpu.vector_load %arg7[%get3A, %get3A_11] {strides = array<i32>} : memref<64x128xf32, #tpu.memory_space<vmem>>, vector<1x16xf32>,
      %get3A_13 = vector.shape_cast %get3A_12 : vector<1x16xf32> to vector<16xf32>
      %get3A_14 = arith.index_cast %scan3A_10 : i32 to index
      %get3A_15 = arith.constant 0 : index
      %get3A_16 = tpu.vector_load %arg8[%get3A_14, %get3A_15] {strides = array<i32>} : memref<64x128xf32, #tpu.memory_space<vmem>>, vector<1x16xf32>,
      %get3A_17 = vector.shape_cast %get3A_16 : vector<1x16xf32> to vector<16xf32>
      %add3A_18 = arith.addf %get3A_13, %get3A_17 : vector<16xf32>
      %swap3A = arith.index_cast %scan3A_10 : i32 to index
      %swap3A_19 = arith.constant 0 : index
      %swap3A_20 = tpu.vector_load %arg7[%swap3A, %swap3A_19] {strides = array<i32>} : memref<64x128xf32, #tpu.memory_space<vmem>>, vector<1x16xf32>,
      %swap3A_21 = vector.shape_cast %swap3A_20 : vector<1x16xf32> to vector<16xf32>
      %swap3A_22 = vector.shape_cast %add3A_18 : vector<16xf32> to vector<1x16xf32>
      tpu.vector_store %arg7[%swap3A, %swap3A_19], %swap3A_22 {strides = array<i32>} : memref<64x128xf32, #tpu.memory_space<vmem>>, vector<1x16xf32>,
      %get3A_23 = arith.index_cast %scan3A_10 : i32 to index
      %get3A_24 = arith.constant 16 : index
      %get3A_25 = tpu.vector_load %arg7[%get3A_23, %get3A_24] {strides = array<i32>} : memref<64x128xf32, #tpu.memory_space<vmem>>, vector<1x16xf32>,
      %get3A_26 = vector.shape_cast %get3A_25 : vector<1x16xf32> to vector<16xf32>
      %get3A_27 = arith.index_cast %scan3A_10 : i32 to index
      %get3A_28 = arith.constant 16 : index
      %get3A_29 = tpu.vector_load %arg8[%get3A_27, %get3A_28] {strides = array<i32>} : memref<64x128xf32, #tpu.memory_space<vmem>>, vector<1x16xf32>,
      %get3A_30 = vector.shape_cast %get3A_29 : vector<1x16xf32> to vector<16xf32>
      %add3A_31 = arith.addf %get3A_26, %get3A_30 : vector<16xf32>
      %swap3A_32 = arith.index_cast %scan3A_10 : i32 to index
      %swap3A_33 = arith.constant 16 : index
      %swap3A_34 = tpu.vector_load %arg7[%swap3A_32, %swap3A_33] {strides = array<i32>} : memref<64x128xf32, #tpu.memory_space<vmem>>, vector<1x16xf32>,
      %swap3A_35 = vector.shape_cast %swap3A_34 : vector<1x16xf32> to vector<16xf32>
      %swap3A_36 = vector.shape_cast %add3A_31 : vector<16xf32> to vector<1x16xf32>
      tpu.vector_store %arg7[%swap3A_32, %swap3A_33], %swap3A_36 {strides = array<i32>} : memref<64x128xf32, #tpu.memory_space<vmem>>, vector<1x16xf32>,
      %get3A_37 = arith.index_cast %scan3A_10 : i32 to index
      %get3A_38 = arith.constant 32 : index
      %get3A_39 = tpu.vector_load %arg7[%get3A_37, %get3A_38] {strides = array<i32>} : memref<64x128xf32, #tpu.memory_space<vmem>>, vector<1x16xf32>,
      %get3A_40 = vector.shape_cast %get3A_39 : vector<1x16xf32> to vector<16xf32>
      %get3A_41 = arith.index_cast %scan3A_10 : i32 to index
      %get3A_42 = arith.constant 32 : index
      %get3A_43 = tpu.vector_load %arg8[%get3A_41, %get3A_42] {strides = array<i32>} : memref<64x128xf32, #tpu.memory_space<vmem>>, vector<1x16xf32>,
      %get3A_44 = vector.shape_cast %get3A_43 : vector<1x16xf32> to vector<16xf32>
      %add3A_45 = arith.addf %get3A_40, %get3A_44 : vector<16xf32>
      %swap3A_46 = arith.index_cast %scan3A_10 : i32 to index
      %swap3A_47 = arith.constant 32 : index
      %swap3A_48 = tpu.vector_load %arg7[%swap3A_46, %swap3A_47] {strides = array<i32>} : memref<64x128xf32, #tpu.memory_space<vmem>>, vector<1x16xf32>,
      %swap3A_49 = vector.shape_cast %swap3A_48 : vector<1x16xf32> to vector<16xf32>
      %swap3A_50 = vector.shape_cast %add3A_45 : vector<16xf32> to vector<1x16xf32>
      tpu.vector_store %arg7[%swap3A_46, %swap3A_47], %swap3A_50 {strides = array<i32>} : memref<64x128xf32, #tpu.memory_space<vmem>>, vector<1x16xf32>,
      %get3A_51 = arith.index_cast %scan3A_10 : i32 to index
      %get3A_52 = arith.constant 48 : index
      %get3A_53 = tpu.vector_load %arg7[%get3A_51, %get3A_52] {strides = array<i32>} : memref<64x128xf32, #tpu.memory_space<vmem>>, vector<1x16xf32>,
      %get3A_54 = vector.shape_cast %get3A_53 : vector<1x16xf32> to vector<16xf32>
      %get3A_55 = arith.index_cast %scan3A_10 : i32 to index
      %get3A_56 = arith.constant 48 : index
      %get3A_57 = tpu.vector_load %arg8[%get3A_55, %get3A_56] {strides = array<i32>} : memref<64x128xf32, #tpu.memory_space<vmem>>, vector<1x16xf32>,
      %get3A_58 = vector.shape_cast %get3A_57 : vector<1x16xf32> to vector<16xf32>
      %add3A_59 = arith.addf %get3A_54, %get3A_58 : vector<16xf32>
      %swap3A_60 = arith.index_cast %scan3A_10 : i32 to index
      %swap3A_61 = arith.constant 48 : index
      %swap3A_62 = tpu.vector_load %arg7[%swap3A_60, %swap3A_61] {strides = array<i32>} : memref<64x128xf32, #tpu.memory_space<vmem>>, vector<1x16xf32>,
      %swap3A_63 = vector.shape_cast %swap3A_62 : vector<1x16xf32> to vector<16xf32>
      %swap3A_64 = vector.shape_cast %add3A_59 : vector<16xf32> to vector<1x16xf32>
      tpu.vector_store %arg7[%swap3A_60, %swap3A_61], %swap3A_64 {strides = array<i32>} : memref<64x128xf32, #tpu.memory_space<vmem>>, vector<1x16xf32>,
      %get3A_65 = arith.index_cast %scan3A_10 : i32 to index
      %get3A_66 = arith.constant 64 : index
      %get3A_67 = tpu.vector_load %arg7[%get3A_65, %get3A_66] {strides = array<i32>} : memref<64x128xf32, #tpu.memory_space<vmem>>, vector<1x16xf32>,
      %get3A_68 = vector.shape_cast %get3A_67 : vector<1x16xf32> to vector<16xf32>
      %get3A_69 = arith.index_cast %scan3A_10 : i32 to index
      %get3A_70 = arith.constant 64 : index
      %get3A_71 = tpu.vector_load %arg8[%get3A_69, %get3A_70] {strides = array<i32>} : memref<64x128xf32, #tpu.memory_space<vmem>>, vector<1x16xf32>,
      %get3A_72 = vector.shape_cast %get3A_71 : vector<1x16xf32> to vector<16xf32>
      %add3A_73 = arith.addf %get3A_68, %get3A_72 : vector<16xf32>
      %swap3A_74 = arith.index_cast %scan3A_10 : i32 to index
      %swap3A_75 = arith.constant 64 : index
      %swap3A_76 = tpu.vector_load %arg7[%swap3A_74, %swap3A_75] {strides = array<i32>} : memref<64x128xf32, #tpu.memory_space<vmem>>, vector<1x16xf32>,
      %swap3A_77 = vector.shape_cast %swap3A_76 : vector<1x16xf32> to vector<16xf32>
      %swap3A_78 = vector.shape_cast %add3A_73 : vector<16xf32> to vector<1x16xf32>
      tpu.vector_store %arg7[%swap3A_74, %swap3A_75], %swap3A_78 {strides = array<i32>} : memref<64x128xf32, #tpu.memory_space<vmem>>, vector<1x16xf32>,
      %get3A_79 = arith.index_cast %scan3A_10 : i32 to index
      %get3A_80 = arith.constant 80 : index
      %get3A_81 = tpu.vector_load %arg7[%get3A_79, %get3A_80] {strides = array<i32>} : memref<64x128xf32, #tpu.memory_space<vmem>>, vector<1x16xf32>,
      %get3A_82 = vector.shape_cast %get3A_81 : vector<1x16xf32> to vector<16xf32>
      %get3A_83 = arith.index_cast %scan3A_10 : i32 to index
      %get3A_84 = arith.constant 80 : index
      %get3A_85 = tpu.vector_load %arg8[%get3A_83, %get3A_84] {strides = array<i32>} : memref<64x128xf32, #tpu.memory_space<vmem>>, vector<1x16xf32>,
      %get3A_86 = vector.shape_cast %get3A_85 : vector<1x16xf32> to vector<16xf32>
      %add3A_87 = arith.addf %get3A_82, %get3A_86 : vector<16xf32>
      %swap3A_88 = arith.index_cast %scan3A_10 : i32 to index
      %swap3A_89 = arith.constant 80 : index
      %swap3A_90 = tpu.vector_load %arg7[%swap3A_88, %swap3A_89] {strides = array<i32>} : memref<64x128xf32, #tpu.memory_space<vmem>>, vector<1x16xf32>,
      %swap3A_91 = vector.shape_cast %swap3A_90 : vector<1x16xf32> to vector<16xf32>
      %swap3A_92 = vector.shape_cast %add3A_87 : vector<16xf32> to vector<1x16xf32>
      tpu.vector_store %arg7[%swap3A_88, %swap3A_89], %swap3A_92 {strides = array<i32>} : memref<64x128xf32, #tpu.memory_space<vmem>>, vector<1x16xf32>,
      %get3A_93 = arith.index_cast %scan3A_10 : i32 to index
      %get3A_94 = arith.constant 96 : index
      %get3A_95 = tpu.vector_load %arg7[%get3A_93, %get3A_94] {strides = array<i32>} : memref<64x128xf32, #tpu.memory_space<vmem>>, vector<1x16xf32>,
      %get3A_96 = vector.shape_cast %get3A_95 : vector<1x16xf32> to vector<16xf32>
      %get3A_97 = arith.index_cast %scan3A_10 : i32 to index
      %get3A_98 = arith.constant 96 : index
      %get3A_99 = tpu.vector_load %arg8[%get3A_97, %get3A_98] {strides = array<i32>} : memref<64x128xf32, #tpu.memory_space<vmem>>, vector<1x16xf32>,
      %get3A_100 = vector.shape_cast %get3A_99 : vector<1x16xf32> to vector<16xf32>
      %add3A_101 = arith.addf %get3A_96, %get3A_100 : vector<16xf32>
      %swap3A_102 = arith.index_cast %scan3A_10 : i32 to index
      %swap3A_103 = arith.constant 96 : index
      %swap3A_104 = tpu.vector_load %arg7[%swap3A_102, %swap3A_103] {strides = array<i32>} : memref<64x128xf32, #tpu.memory_space<vmem>>, vector<1x16xf32>,
      %swap3A_105 = vector.shape_cast %swap3A_104 : vector<1x16xf32> to vector<16xf32>
      %swap3A_106 = vector.shape_cast %add3A_101 : vector<16xf32> to vector<1x16xf32>
      tpu.vector_store %arg7[%swap3A_102, %swap3A_103], %swap3A_106 {strides = array<i32>} : memref<64x128xf32, #tpu.memory_space<vmem>>, vector<1x16xf32>,
      %get3A_107 = arith.index_cast %scan3A_10 : i32 to index
      %get3A_108 = arith.constant 112 : index
      %get3A_109 = tpu.vector_load %arg7[%get3A_107, %get3A_108] {strides = array<i32>} : memref<64x128xf32, #tpu.memory_space<vmem>>, vector<1x16xf32>,
      %get3A_110 = vector.shape_cast %get3A_109 : vector<1x16xf32> to vector<16xf32>
      %get3A_111 = arith.index_cast %scan3A_10 : i32 to index
      %get3A_112 = arith.constant 112 : index
      %get3A_113 = tpu.vector_load %arg8[%get3A_111, %get3A_112] {strides = array<i32>} : memref<64x128xf32, #tpu.memory_space<vmem>>, vector<1x16xf32>,
      %get3A_114 = vector.shape_cast %get3A_113 : vector<1x16xf32> to vector<16xf32>
      %add3A_115 = arith.addf %get3A_110, %get3A_114 : vector<16xf32>
      %swap3A_116 = arith.index_cast %scan3A_10 : i32 to index
      %swap3A_117 = arith.constant 112 : index
      %swap3A_118 = tpu.vector_load %arg7[%swap3A_116, %swap3A_117] {strides = array<i32>} : memref<64x128xf32, #tpu.memory_space<vmem>>, vector<1x16xf32>,
      %swap3A_119 = vector.shape_cast %swap3A_118 : vector<1x16xf32> to vector<16xf32>
      %swap3A_120 = vector.shape_cast %add3A_115 : vector<16xf32> to vector<1x16xf32>
      tpu.vector_store %arg7[%swap3A_116, %swap3A_117], %swap3A_120 {strides = array<i32>} : memref<64x128xf32, #tpu.memory_space<vmem>>, vector<1x16xf32>,
    }
    %scan3A_9 = arith.constant 64 : i32
    "tpu.region"() ({
      %run_scoped3A = tpu.sem_alloc : memref<!tpu.dma_semaphore, #tpu.memory_space<semaphore_mem>>
      %dma_start3A_10 = arith.constant 0 : i32
      %dma_start3A_11 = arith.constant 0 : i32
      %dma_start3A_12 = tpu.memref_slice %arg5[%add3A, %dma_start3A_10, %dma_start3A_11] : memref<32x64x128xf32, #tpu.memory_space<hbm>> -> memref<1x64x128xf32, #tpu.memory_space<hbm>>
      %dma_start3A_13 = tpu.memref_squeeze %dma_start3A_12 : memref<1x64x128xf32, #tpu.memory_space<hbm>> -> memref<64x128xf32, #tpu.memory_space<hbm>>
      %dma_start3A_14 = arith.constant 0 : i32
      %dma_start3A_15 = arith.constant 0 : i32
      %dma_start3A_16 = tpu.memref_slice %arg5[%add3A, %dma_start3A_14, %dma_start3A_15] : memref<32x64x128xf32, #tpu.memory_space<hbm>> -> memref<1x64x128xf32, #tpu.memory_space<hbm>>
      %dma_start3A_17 = tpu.memref_squeeze %dma_start3A_16 : memref<1x64x128xf32, #tpu.memory_space<hbm>> -> memref<64x128xf32, #tpu.memory_space<hbm>>
      tpu.enqueue_dma source(%arg7 : memref<64x128xf32, #tpu.memory_space<vmem>>) target(%dma_start3A_17 : memref<64x128xf32, #tpu.memory_space<hbm>>) target_semaphore(%run_scoped3A : memref<!tpu.dma_semaphore, #tpu.memory_space<semaphore_mem>>)
      %dma_wait3A_18 = arith.constant 0 : i32
      %dma_wait3A_19 = arith.constant 0 : i32
      %dma_wait3A_20 = tpu.memref_slice %arg5[%add3A, %dma_wait3A_18, %dma_wait3A_19] : memref<32x64x128xf32, #tpu.memory_space<hbm>> -> memref<1x64x128xf32, #tpu.memory_space<hbm>>
      %dma_wait3A_21 = tpu.memref_squeeze %dma_wait3A_20 : memref<1x64x128xf32, #tpu.memory_space<hbm>> -> memref<64x128xf32, #tpu.memory_space<hbm>>
      %dma_wait3A_22 = arith.constant 0 : i32
      %dma_wait3A_23 = arith.constant 0 : i32
      %dma_wait3A_24 = tpu.memref_slice %arg5[%add3A, %dma_wait3A_22, %dma_wait3A_23] : memref<32x64x128xf32, #tpu.memory_space<hbm>> -> memref<1x64x128xf32, #tpu.memory_space<hbm>>
      %dma_wait3A_25 = tpu.memref_squeeze %dma_wait3A_24 : memref<1x64x128xf32, #tpu.memory_space<hbm>> -> memref<64x128xf32, #tpu.memory_space<hbm>>
      tpu.wait_dma2 semaphore(%run_scoped3A : memref<!tpu.dma_semaphore, #tpu.memory_space<semaphore_mem>>) src(%arg7 : memref<64x128xf32, #tpu.memory_space<vmem>>) dst(%dma_wait3A_25 : memref<64x128xf32, #tpu.memory_space<hbm>>)
      tpu.yield
    }) : () -> ()
    return
  }
}

module attributes {stable_mosaic.version = 14 : i64} {
  func.func @_tc_body(%arg0: i32, %arg1: memref<8x2048x128xf32, #tpu.memory_space<vmem>>, %arg2: memref<2048x128xf32, #tpu.memory_space<vmem>>, %arg3: memref<8x2048x128xf32, #tpu.memory_space<vmem>>) attributes {dimension_semantics = [#tpu.dimension_semantics<arbitrary>], iteration_bounds = array<i64: 32>, scalar_prefetch = 0 : i64, scratch_operands = 0 : i64, tpu.core_type = #tpu.core_type<tc>, window_params = [{transform_indices = @transform_0, window_bounds = array<i64: 8, 2048, 128>}, {pipeline_mode = #tpu.pipeline_mode<synchronous>, transform_indices = @transform_1, window_bounds = array<i64: 2048, 128>}, {transform_indices = @transform_2, window_bounds = array<i64: 8, 2048, 128>}]} {
    %get3A = arith.constant 0 : index
    %get3A_0 = arith.constant 0 : index
    %get3A_1 = arith.constant 0 : index
    %get3A_2 = vector.load %arg1[%get3A, %get3A_0, %get3A_1] : memref<8x2048x128xf32, #tpu.memory_space<vmem>>, vector<8x2048x128xf32>
    %get3A_3 = arith.constant 0 : index
    %get3A_4 = arith.constant 0 : index
    %get3A_5 = vector.load %arg2[%get3A_3, %get3A_4] : memref<2048x128xf32, #tpu.memory_space<vmem>>, vector<2048x128xf32>
    %broadcast_in_dim3A = vector.shape_cast %get3A_5 : vector<2048x128xf32> to vector<1x2048x128xf32>
    %add3A = vector.broadcast %broadcast_in_dim3A : vector<1x2048x128xf32> to vector<8x2048x128xf32>
    %add3A_6 = arith.addf %get3A_2, %add3A : vector<8x2048x128xf32>
    %swap3A = arith.constant 0 : index
    %swap3A_7 = arith.constant 0 : index
    %swap3A_8 = arith.constant 0 : index
    %swap3A_9 = vector.load %arg3[%swap3A, %swap3A_7, %swap3A_8] : memref<8x2048x128xf32, #tpu.memory_space<vmem>>, vector<8x2048x128xf32>
    tpu.vector_store %arg3[%swap3A, %swap3A_7, %swap3A_8], %add3A_6 {strides = array<i32>} : memref<8x2048x128xf32, #tpu.memory_space<vmem>>, vector<8x2048x128xf32>,
    return
  }
  func.func @transform_0(%arg0: i32) -> (i32, i32, i32) {
    %c0_i32 = arith.constant 0 : i32
    %c0_i32_0 = arith.constant 0 : i32
    %c0_i32_1 = arith.constant 0 : i32
    return %arg0, %c0_i32, %c0_i32_0 : i32, i32, i32
  }
  func.func @transform_1(%arg0: i32) -> (i32, i32) {
    %c0_i32 = arith.constant 0 : i32
    %c0_i32_0 = arith.constant 0 : i32
    %c0_i32_1 = arith.constant 0 : i32
    return %c0_i32, %c0_i32_0 : i32, i32
  }
  func.func @transform_2(%arg0: i32) -> (i32, i32, i32) {
    %c0_i32 = arith.constant 0 : i32
    %c0_i32_0 = arith.constant 0 : i32
    %c0_i32_1 = arith.constant 0 : i32
    return %arg0, %c0_i32, %c0_i32_0 : i32, i32, i32
  }
}

</mosaic_0001>

<sc_bundles>
// kernel: _run.4.cloned.1.call-start
scs
__scs_entry_jumppad:
0x0: {  	(pc) =	sbr.rel $0x88, $3  }
0x1: {  	(tag) =	ssettag $0x0;
	lr =	simm.s32 $0x1  }
0x2: {  	[smem:$0x3F9D] =	sst lr;
	_ =	strace $0xD0000000  }
0x3: {  	_ = 	snop  }
0x4: {  	_ = 	snop  }
0x5: {  	_ = 	snop  }
0x6: {  	_ = 	snop  }
0x7: {  	_ = 	snop  }
__scs_overlays_trampoline_lowered:
0x8: {  	[smem:$0x3FAC] =	sst s0  }
0x9: {  	[smem:$0x3FAD] =	sst s1  }
0xa: {  	[smem:$0x3FAE] =	sst s2  }
0xb: {  	[smem:$0x3FAF] =	sst s3  }
0xc: {  	[smem:$0x3FB0] =	sst s4  }
0xd: {  	[smem:$0x3FB1] =	sst s5  }
0xe: {  	[smem:$0x3FB2] =	sst s6  }
0xf: {  	[smem:$0x3FB3] =	sst s7  }
0x10: {  	[smem:$0x3FB4] =	sst s8  }
0x11: {  	[smem:$0x3FB5] =	sst s9;
	s0 =	simm.s32 @!p0 $0x0  }
0x12: {  	s1 =	sld [smem:$0x3F9B];
	s0 =	simm.s32 @p0 $0x1  }
0x13: {  	[smem:$0x3FB6] =	sst s0;
	s0 =	simm.s32 @!p1 $0x0  }
0x14: {  	s2 =	sld [smem:$0x3F9A];
	s0 =	simm.s32 @p1 $0x1  }
0x15: {  	[smem:$0x3FB7] =	sst s0;
	s0 =	simm.s32 @!p2 $0x0  }
0x16: {  	s3 =	sld [smem:$0x3FDB];
	s0 =	simm.s32 @p2 $0x1  }
0x17: {  	s4 =	simm.s32 $0x1BF5;
	[smem:$0x3FB9] =	sst s0  }
0x18: {  	s0 =	sld [smem:$0x3F9C];
	_ =	swait.ge [sflag:s4], $0x0  }
0x19: {  	s7 =	sld [smem:$0x3F9D]  }
0x1a: {  	s8 =	sadd.s32 $0xFFFFE003, lr  }
0x1b: {  	s9 =	sadd.s32 $0xFFFFFEF7, lr;
	s5 =	simm.s32 $0xFFFFFFFF;
	p2 =	slt.u32 s8, $0xFFFFF086  }
0x1c: {  	p1 =	slt.u32 s9, $0xF7A;
	s5 =	simm.s32 @!p2 $0x0  }
0x1d: {  	s5 =	simm.s32 @p1 $0x1;
	p0 =	seq.s32 s7, s2  }
0x1e: {  	s7 =	smul.u32 @!p0 $0xF7A, s2;
	p2 =	seq.s32 @!p0 s5, $0x0  }
0x1f: {  	s9 =	smul.u32 $0xF7A, s1;
	s8 =	simm.s32 @!p0 $0x1BF5;
	p2 =	por !p2, p0  }
0x20: {  	[sflag:s8] =	ssyncset.s32 @!p0 $0xFFFFF086;
	s6 =	sadd.s32 @!p0 s3, s7;
	s7 =	simm.s32 @!p0 $0x108  }
0x21: {  	s3 =	sadd.s32 s3, s9;
	s6 =	sadd.s32 @!p0 $0x88, s6;
	s7 =	simm.s32 @p2 $0x1082  }
0x22: {  	[simem:s7], [sflag:s8] =	dma.local @!p0 [hbm:s6], $0xF7A  }
0x23: {  	s9 =	sor.u32 $0xD0000000, s2;
	s6 =	simm.s32 $0x108;
	_ =	swait.ge @!p0 [sflag:s8], $0x0  }
0x24: {  	s3 =	sadd.s32 $0x88, s3;
	s6 =	simm.s32 @!p1 $0x1082;
	[sflag:s4] =	ssyncset.s32 $0xFFFFF086  }
0x25: {  	[simem:s6], [sflag:s4] =	dma.local [hbm:s3], $0xF7A  }
0x26: {  	[smem:$0x3F9D] =	sst s1;
	(tag) =	ssettag s2;
	_ =	strace s9  }
0x27: {  	s1 =	sld [smem:$0x3FAD]  }
0x28: {  	s2 =	sld [smem:$0x3FAE]  }
0x29: {  	s4 =	sld [smem:$0x3FB0]  }
0x2a: {  	p0 =	seq.s32 s5, $0x0;
	s5 =	sld [smem:$0x3FB1]  }
0x2b: {  	s6 =	sld [smem:$0x3FB2]  }
0x2c: {  	s7 =	sld [smem:$0x3FB3]  }
0x2d: {  	s3 =	simm.s32 $0x108;
	s8 =	sld [smem:$0x3FB4]  }
0x2e: {  	s3 =	simm.s32 @!p0 $0x1082;
	s9 =	sld [smem:$0x3FB5]  }
0x2f: {  	lr =	sadd.s32 s0, s3;
	s0 =	sld [smem:$0x3FAC]  }
0x30: {  	s3 =	sld [smem:$0x3FAF]  }
0x31: {  	[smem:$0x3FB8] =	sst s10  }
0x32: {  	s10 =	sld [smem:$0x3FB6];
	_ =	sdelay $0x3  }
0x33: {  	p0 =	seq.s32 s10, $0x1;
	s10 =	sld [smem:$0x3FB8];
	_ =	sdelay $0x3  }
0x34: {  	[smem:$0x3FB8] =	sst s10  }
0x35: {  	s10 =	sld [smem:$0x3FB7];
	_ =	sdelay $0x3  }
0x36: {  	p1 =	seq.s32 s10, $0x1;
	s10 =	sld [smem:$0x3FB8];
	_ =	sdelay $0x3  }
0x37: {  	[smem:$0x3FB8] =	sst s10  }
0x38: {  	s10 =	sld [smem:$0x3FB9]  }
0x39: {  	_ = 	snop;
	(pc) =	sbr.ind lr, $3  }
0x3a: {  	_ = 	snop  }
0x3b: {  	_ = 	snop  }
0x3c: {  	p2 =	seq.s32 s10, $0x1;
	s10 =	sld [smem:$0x3FB8]  }
0x3d: {  	_ =	shalt  }
0x3e: {  	_ =	shalt  }
0x3f: {  	_ =	shalt  }
0x40: {  	_ =	shalt  }
0x41: {  	_ =	shalt  }
0x42: {  	_ =	shalt  }
0x43: {  	_ =	shalt  }
0x44: {  	_ =	shalt  }
0x45: {  	_ =	shalt  }
0x46: {  	_ =	shalt  }
0x47: {  	_ =	shalt  }
0x48: {  	_ =	shalt  }
0x49: {  	_ =	shalt  }
0x4a: {  	_ =	shalt  }
0x4b: {  	_ =	shalt  }
0x4c: {  	_ =	shalt  }
0x4d: {  	_ =	shalt  }
0x4e: {  	_ =	shalt  }
0x4f: {  	_ =	shalt  }
0x50: {  	_ =	shalt  }
0x51: {  	_ =	shalt  }
0x52: {  	_ =	shalt  }
0x53: {  	_ =	shalt  }
0x54: {  	_ =	shalt  }
0x55: {  	_ =	shalt  }
0x56: {  	_ =	shalt  }
0x57: {  	_ =	shalt  }
0x58: {  	_ =	shalt  }
0x59: {  	_ =	shalt  }
0x5a: {  	_ =	shalt  }
0x5b: {  	_ =	shalt  }
0x5c: {  	_ =	shalt  }
0x5d: {  	_ =	shalt  }
0x5e: {  	_ =	shalt  }
0x5f: {  	_ =	shalt  }
0x60: {  	_ =	shalt  }
0x61: {  	_ =	shalt  }
0x62: {  	_ =	shalt  }
0x63: {  	_ =	shalt  }
0x64: {  	_ =	shalt  }
0x65: {  	_ =	shalt  }
0x66: {  	_ =	shalt  }
0x67: {  	_ =	shalt  }
0x68: {  	_ =	shalt  }
0x69: {  	_ =	shalt  }
0x6a: {  	_ =	shalt  }
0x6b: {  	_ =	shalt  }
0x6c: {  	_ =	shalt  }
0x6d: {  	_ =	shalt  }
0x6e: {  	_ =	shalt  }
0x6f: {  	_ =	shalt  }
0x70: {  	_ =	shalt  }
0x71: {  	_ =	shalt  }
0x72: {  	_ =	shalt  }
0x73: {  	_ =	shalt  }
0x74: {  	_ =	shalt  }
0x75: {  	_ =	shalt  }
0x76: {  	_ =	shalt  }
0x77: {  	_ =	shalt  }
0x78: {  	_ =	shalt  }
0x79: {  	_ =	shalt  }
0x7a: {  	_ =	shalt  }
0x7b: {  	_ =	shalt  }
0x7c: {  	_ =	shalt  }
0x7d: {  	_ =	shalt  }
0x7e: {  	_ =	shalt  }
0x7f: {  	_ =	shalt  }
0x80: {  	_ =	shalt  }
0x81: {  	_ =	shalt  }
0x82: {  	_ =	shalt  }
0x83: {  	_ =	shalt  }
0x84: {  	_ =	shalt  }
0x85: {  	_ =	shalt  }
0x86: {  	_ =	shalt  }
0x87: {  	_ =	shalt  }
.Lfunc_end0:
.L_simem_size_0:
called_computation_lowered:
.L_overlay_start_0:
0x88: {  	s2 =	sld [smem:$0x3FD9]  }
0x89: {  	s3 =	sld [smem:$0x3FFE];
	_ =	sdelay $0x1  }
0x8a: {  	s1 =	srdreg.scid  }
0x8b: {  	s0 =	sand.u32 $0x1, s1  }
0x8c: {  	s18 =	sshll.u32 s0, $0xA;
	s2 =	sadd.s32 s3, s2  }
0x8d: {  	s2 =	sadd.s32 s2, s18  }
0x8e: {  	[smem:$0x3FC4] =	sst s2  }
0x8f: {  	_ = 	snop  }
0x90: {  	s2 =	sld [smem:$0x3FC8]  }
0x91: {  	s19 =	sld [smem:$0x3FC7]  }
0x92: {  	s4 =	sld [smem:$0x3FC6]  }
0x93: {  	s5 =	sld [smem:$0x3FD0];
	(tm) =	ssettm $0x1  }
0x94: {  	s6 =	sld [smem:$0x3FFB];
	_ =	sdelay $0x3  }
0x95: {  	_ =	strace s6  }
0x96: {  	s6 =	sld [smem:$0x3FFC];
	_ =	sdelay $0x3  }
0x97: {  	_ =	strace s6  }
0x98: {  	s6 =	sld [smem:$0x3FFD];
	_ =	sdelay $0x3  }
0x99: {  	_ =	strace s6  }
0x9a: {  	_ =	strace $0x8FFFFFFF  }
0x9b: {  	s20 =	sld [smem:$0x3FDB];
	_ =	sdelay $0x1  }
0x9c: {  	s7 =	simm.s32 $_scs_section_size  }
0x9d: {  	s8 =	simm.s32 $_size__tile_overlayer_lowered;
	s9 =	simm.s32 $_tile_overlayer_lowered  }
0x9e: {  	s23 =	simm.s32 $0x1BFF;
	s22 =	sshll.u32 s9, $0x1;
	s6 =	sadd.s32 s7, s20  }
0x9f: {  	s10 =	simm.s32 $0x0;
	s21 =	sshll.u32 s8, $0x1;
	s8 =	sadd.s32 s22, s6  }
0xa0: {  	[timem:s10], [sflag:s23] =	dma.local [hbm:s8], s21  }
0xa1: {  	_ =	swait.ge [sflag:s23], s21  }
0xa2: {  	s7 =	ssub.s32 $0x0, s21;
	[sflag:s23] =	ssyncset.done $0x0  }
0xa3: {  	[sflag:s23] =	ssyncadd.s32 s7;
	_ =	sdelay $0x1  }
0xa4: {  	s24 =	simm.s32 $0x1B8B  }
0xa5: {  	_ =	swait.ge [sflag:s24], $0x1  }
0xa6: {  	[sflag:s24] =	ssyncset.done $0x0  }
0xa7: {  	s25 =	simm.s32 $0x1B8E;
	[sflag:s24] =	ssyncadd.s32 $0xFFFFFFFF  }
0xa8: {  	s26 =	simm.s32 $execute0_lowered;
	[smem:$0x3FD2] =	sst s25  }
0xa9: {  	s7 =	sshll.u32 s26, $0x1;
	_ =	strace $0x80000046;
	[dreg:$0x1] =	wrdreg $0xFFFFFFFF  }
0xaa: {  	s28 =	simm.s32 $_size_execute0_lowered;
	s6 =	sadd.s32 s6, s7;
	[dreg:$0x0] =	wrdreg $0x0  }
0xab: {  	s7 =	sshll.u32 s28, $0x1;
	[dreg:$0x2] =	wrdreg s6  }
0xac: {  	[dreg:$0x3] =	wrdreg s7  }
0xad: {  	[dreg:$0x4] =	wrdreg $0xC0  }
0xae: {  	_ =	task [dreg:s10], $0x5FFFF  }
0xaf: {  	[dreg:$0x1] =	wrdreg $0xFFFFFFFF  }
0xb0: {  	[dreg:$0x0] =	wrdreg $0x60  }
0xb1: {  	[dreg:$0x2] =	wrdreg s2  }
0xb2: {  	[dreg:$0x3] =	wrdreg s19  }
0xb3: {  	[dreg:$0x4] =	wrdreg s4  }
0xb4: {  	[dreg:$0x5] =	wrdreg s5  }
0xb5: {  	[dreg:$0x6] =	wrdreg $0x9  }
0xb6: {  	_ =	task.clear_ibuf [dreg:s10], $0x7FFFF;
	_ =	strace $0x90000046  }
0xb7: {  	s29 =	simm.s32 $0x9;
	_ =	strace $0x80000048  }
0xb8: {  	_ =	swait.ge [sflag:s29], $0x1  }
0xb9: {  	[sflag:s29] =	ssyncadd.s32 $0xFFFFFFFF  }
0xba: {  	_ =	strace $0x90000048  }
0xbb: {  	_ =	sfence  }
0xbc: {  	s30 =	sld [smem:$0x0];
	_ =	sdelay $0x2  }
0xbd: {  	s31 =	sshll.u32 s1, $0xD;
	s1 =	sshrl.u32 s1, $0x2  }
0xbe: {  	s3 =	sand.u32 $0x4000, s31;
	s1 =	sadd.s32 s1, s30  }
0xbf: {  	s0 =	sor.u32 s3, s0;
	s1 =	sshll.u32 s1, $0x11  }
0xc0: {  	s0 =	sor.u32 s1, s0  }
0xc1: {  	s0 =	sadd.s32 $0x8F2B, s0  }
0xc2: {  	[sflag:s0] =	ssyncadd.remote.s32 $0x1  }
0xc3: {  	_ =	sfence.sel $0xFFFF  }
0xc4: {  	[dreg:$0x0] =	wrdreg $0xFFFFFFFF;
	(pc) =	sbr.abs _section_cstart, $3  }
0xc5: {  	[dreg:$0x1] =	wrdreg $0xFFFFFFFF  }
0xc6: {  	_ =	task.clear_ibuf [dreg:s10], $0x2FFFF;
	_ =	strace $0x9FFFFFFF  }
0xc7: {  	(tm) =	ssettm $0x7FFFFFFF  }
tec
execute0_lowered:
.L_overlay_start_1:
0x0: {  	(tag) =	ssettag $0x1  }
0x1: {  	s1 =	rddreg [dreg:$0x0]  }
0x2: {  	s4 =	rddreg [dreg:$0x1]  }
0x3: {  	s5 =	rddreg [dreg:$0x2]  }
0x4: {  	s6 =	rddreg [dreg:$0x3]  }
0x5: {  	s0 =	rddreg [dreg:$0x4]  }
0x6: {  	s7 =	srdreg.scid;
	s2 =	stileid.u32  }
0x7: {  	s3 =	simm.s32 $0x0;
	s11 =	simm.s32 $0x2080;
	s12 =	simm.s32 $0x1  }
0x8: {  	s13 =	simm.s32 $0x0;
	s7 =	sand.u32 $0x1, s7;
	s8 =	sshll.u32 s2, $0x1  }
0x9: {  	[smem:$0x7FF] =	sst s3;
	s9 =	ssub.s32 $0x2, s7;
	s7 =	sor.u32 s7, s8  }
0xa: {  	_ =	strace $0x80000047;
	s31 =	sshrl.u32 s9, $0x1;
	s10 =	sshll.u32 s7, $0x4  }
0xb: {  	s7 =	sshll.u32 s7, $0xA;
	s8 =	ssub.s32 s9, s31;
	s4 =	sadd.s32 s4, s10  }
0xc: {  	s5 =	sadd.s32 s5, s7;
	s6 =	sadd.s32 s6, s7;
	s9 =	simm.s32 $0x40  }
0xd: {  	s10 =	simm.s32 $0x80;
	s7 =	smax.u32 s8, $0x1;
	s8 =	simm.s32 $0x2  }
.LBB2_1:
0xe: {  	[tilespmem:s3], [sflag:$0x2] =	stream.linear.gather [hbm4b:s4+s3], $0x80, $0x38;
	[tilespmem:$0x4080] =	vst v63  }
0xf: {  	_ =	swait.ge [sflag:s8], $0x80  }
0x10: {  	[sflag:s8] =	ssyncset.done $0x0  }
0x11: {  	[sflag:s8] =	ssyncadd.s32 $0xFFFFFF80  }
0x12: {  	[tilespmem:s10], [sflag:$0x1] =	stream.indirect.gather [hbm4b:s1+s9], $0x80, s3, s9, $0xb8;
	[tilespmem:$0x4080] =	vst v63  }
0x13: {  	_ = 	snop  }
0x14: {  	[tilespmem:s11], [sflag:$0x2] =	stream.linear.gather [hbm4b:s5+s3], $0x2000, $0x38;
	[tilespmem:$0x4080] =	vst v63  }
0x15: {  	_ =	swait.ge [sflag:s8], $0x2000  }
0x16: {  	[sflag:s8] =	ssyncset.done $0x0  }
0x17: {  	[sflag:s8] =	ssyncadd.s32 $0xFFFFE000  }
0x18: {  	_ =	swait.ge [sflag:s12], $0x2000  }
0x19: {  	[sflag:s12] =	ssyncset.done $0x0  }
0x1a: {  	s14 =	simm.s32 $0x0;
	[sflag:s12] =	ssyncadd.s32 $0xFFFFE000  }
0x1b: {  	v7 =	vld [tilespmem:s14+$0x2080]  }
0x1c: {  	v11 =	vld [tilespmem:s14+$0x2090]  }
0x1d: {  	v5 =	vld [tilespmem:s14+$0x20A0]  }
0x1e: {  	v4 =	vld [tilespmem:s14+$0x20B0]  }
0x1f: {  	v3 =	vld [tilespmem:s14+$0x20C0]  }
0x20: {  	v2 =	vld [tilespmem:s14+$0x20D0]  }
0x21: {  	v1 =	vld [tilespmem:s14+$0x20E0]  }
0x22: {  	v0 =	vld [tilespmem:s14+$0x20F0]  }
0x23: {  	v12 =	vld [tilespmem:s14+$0x80]  }
0x24: {  	v13 =	vld [tilespmem:s14+$0x90]  }
0x25: {  	v10 =	vld [tilespmem:s14+$0xA0]  }
0x26: {  	v9 =	vld [tilespmem:s14+$0xB0]  }
0x27: {  	v8 =	vld [tilespmem:s14+$0xC0]  }
0x28: {  	v6 =	vld [tilespmem:s14+$0xD0];
	v12 =	vadd.f32 v7, v12  }
0x29: {  	s15 =	simm.s32 $0x200;
	v11 =	vadd.f32 v11, v13;
	v7 =	vld [tilespmem:s14+$0xE0]  }
.LBB2_2:
0x2a: {  	s16 =	sshra.s32 s15, $0x2;
	p0 =	sne.s32 s15, $0x7E00;
	[tilespmem:s14+$0x80] =	vst v12;
	v5 =	vadd.f32 v5, v10;
	v10 =	vld [tilespmem:s14+$0xF0]  }
0x2b: {  	v12 =	vld [tilespmem:s16+$0x2080];
	[tilespmem:s14+$0x90] =	vst v11;
	v4 =	vadd.f32 v4, v9  }
0x2c: {  	v11 =	vld [tilespmem:s16+$0x2090];
	[tilespmem:s14+$0xA0] =	vst v5;
	v3 =	vadd.f32 v3, v8  }
0x2d: {  	v5 =	vld [tilespmem:s16+$0x20A0];
	[tilespmem:s14+$0xB0] =	vst v4;
	v2 =	vadd.f32 v2, v6  }
0x2e: {  	v4 =	vld [tilespmem:s16+$0x20B0];
	[tilespmem:s14+$0xC0] =	vst v3;
	v1 =	vadd.f32 v1, v7  }
0x2f: {  	v3 =	vld [tilespmem:s16+$0x20C0];
	[tilespmem:s14+$0xD0] =	vst v2;
	v0 =	vadd.f32 v0, v10  }
0x30: {  	v2 =	vld [tilespmem:s16+$0x20D0];
	[tilespmem:s14+$0xE0] =	vst v1  }
0x31: {  	v1 =	vld [tilespmem:s16+$0x20E0];
	[tilespmem:s14+$0xF0] =	vst v0;
	s14 =	smov.u32 s16  }
0x32: {  	v0 =	vld [tilespmem:s14+$0x20F0]  }
0x33: {  	v6 =	vld [tilespmem:s14+$0x80]  }
0x34: {  	v7 =	vld [tilespmem:s14+$0x90]  }
.Ltmp0:
0x35: {  	v10 =	vld [tilespmem:s14+$0xA0];
	(pc) =	sbr.rel @p0 .LBB2_2-.Ltmp0, $4  }
0x36: {  	v9 =	vld [tilespmem:s14+$0xB0]  }
0x37: {  	v8 =	vld [tilespmem:s14+$0xC0]  }
0x38: {  	v12 =	vadd.f32 v12, v6;
	v6 =	vld [tilespmem:s14+$0xD0]  }
0x39: {  	s15 =	sadd.s32 $0x200, s15;
	v11 =	vadd.f32 v11, v7;
	v7 =	vld [tilespmem:s14+$0xE0]  }
0x3a: {  	[tilespmem:s14+$0x80] =	vst v12;
	v5 =	vadd.f32 v5, v10;
	v63 =	vld [tilespmem:s14+$0xF0]  }
0x3b: {  	[tilespmem:s14+$0x90] =	vst v11;
	v4 =	vadd.f32 v4, v9  }
0x3c: {  	[tilespmem:s14+$0xA0] =	vst v5;
	v3 =	vadd.f32 v3, v8  }
0x3d: {  	[tilespmem:s14+$0xB0] =	vst v4;
	v2 =	vadd.f32 v2, v6  }
0x3e: {  	[tilespmem:s14+$0xC0] =	vst v3;
	v1 =	vadd.f32 v1, v7  }
0x3f: {  	s13 =	sadd.s32 $0x1, s13;
	[tilespmem:s14+$0xD0] =	vst v2;
	v0 =	vadd.f32 v0, v63  }
0x40: {  	p0 =	sne.s32 s13, s7;
	[tilespmem:s14+$0xE0] =	vst v1  }
.Ltmp1:
0x41: {  	[tilespmem:s14+$0xF0] =	vst v0;
	(pc) =	sbr.rel @p0 .LBB2_1-.Ltmp1, $4  }
0x42: {  	[hbm4b:s6+s3] =	stream.linear.scatter [tilespmem:s10], [sflag:$0x2], $0x2000, $0x38;
	[tilespmem:$0x4080] =	vst v63  }
0x43: {  	_ =	swait.ge [sflag:s8], $0x2000  }
0x44: {  	[sflag:s8] =	ssyncset.done $0x0  }
0x45: {  	[sflag:s8] =	ssyncadd.s32 $0xFFFFE000  }
0x46: {  	_ =	sfence.sel $0x180000  }
0x47: {  	[bflag:$0x0] =	sbarrier.arrive $0xFFFF  }
0x48: {  	p0 =	sne.s32 s2, $0x0;
	_ =	strace $0x90000047  }
0x49: {  	s0 =	sadd.s32 @!p0 $0x100000, s0;
	[bflag:$0x2] =	sbarrier.arrive $0xFFFF  }
0x4a: {  	[sflag:s0] =	ssyncadd.tile.s32 @!p0 $0x1;
	_ =	shalt  }
.Lfunc_end2:
_tile_overlayer_lowered:
.L_overlay_start_2:
0x4b: {  	(tag) =	ssettag $0x2  }
0x4c: {  	s0 =	rddreg [dreg:$0x0];
	s2 =	stileid.u32  }
0x4d: {  	s1 =	rddreg [dreg:$0x1];
	p0 =	sne.s32 s2, $0x0  }
0x4e: {  	s3 =	rddreg [dreg:$0x2];
	[bflag:$0x3] =	sbarrier.arrive $0xFFFF;
	s2 =	simm.s32 @!p0 $0x1C02  }
0x4f: {  	[timem:s3], [sflag:s2] =	dma.local @!p0 [hbm:s0], s1  }
0x50: {  	s0 =	simm.s32 @!p0 $0x2  }
0x51: {  	_ =	swait.ge @!p0 [sflag:s0], s1  }
0x52: {  	s1 =	ssub.s32 @!p0 $0x0, s1;
	[sflag:s0] =	ssyncset.done @!p0 $0x0  }
0x53: {  	[sflag:s0] =	ssyncadd.s32 @!p0 s1  }
0x54: {  	[bflag:$0x3] =	sbarrier.arrive $0xFFFF  }
0x55: {  	_ =	shalt  }

</sc_bundles>
